<compile_context>
chip_gen: v7x
topology: tpu7x:2x2x1
jax: 0.10.2.dev20260603
libtpu: 0.0.44.dev20260713+nightly
codegen_flags: <defaults>
</compile_context>

<pallas_src>
import functools

import jax
import jax.numpy as jnp
from jax import lax
from jax.experimental import pallas as pl
from jax.experimental.pallas import tpu as pltpu
from jax.experimental.pallas import tpu_sc as plsc

HIDDEN = 64
BATCH = 4096
SEQ = 200
TOTAL = BATCH * SEQ
PAIR_ROWS = 500000
NUM_WORKERS = 32
PER_WORKER = TOTAL // NUM_WORKERS
CHUNK = 128
NCHUNK = PER_WORKER // CHUNK

_mesh = plsc.VectorSubcoreMesh(core_axis_name="c", subcore_axis_name="s")


@functools.partial(
    pl.kernel,
    mesh=_mesh,
    out_type=jax.ShapeDtypeStruct((TOTAL, 2 * HIDDEN), jnp.float32),
    scratch_types=[
        pltpu.VMEM((NCHUNK, CHUNK), jnp.int32),
        pltpu.VMEM((2, CHUNK, 2 * HIDDEN), jnp.float32),
        pltpu.SemaphoreType.DMA,
        pltpu.SemaphoreType.DMA,
    ],
    compiler_params=pltpu.CompilerParams(needs_layout_passes=False),
)
def _gather_kernel(idx_hbm, pairs_hbm, out_hbm, idx_v, rows_v, gsem, ssem):
    wid = lax.axis_index("s") * 2 + lax.axis_index("c")
    base = wid * PER_WORKER

    pltpu.sync_copy(idx_hbm.at[wid], idx_v)

    def start_gather(i):
        pltpu.async_copy(pairs_hbm.at[idx_v.at[i]], rows_v.at[i % 2], gsem)

    def wait_gather():
        pltpu.make_async_copy(
            pairs_hbm.at[idx_v.at[0]], rows_v.at[0], gsem).wait()

    def start_store(i):
        pltpu.async_copy(
            rows_v.at[i % 2], out_hbm.at[pl.ds(base + i * CHUNK, CHUNK)], ssem)

    def wait_store():
        pltpu.make_async_copy(
            rows_v.at[0], out_hbm.at[pl.ds(base, CHUNK)], ssem).wait()

    start_gather(0)

    def body(i, carry):
        @pl.when(i >= 1)
        def _():
            wait_store()

        @pl.when(i + 1 < NCHUNK)
        def _():
            start_gather(i + 1)

        wait_gather()
        start_store(i)
        return carry

    lax.fori_loop(0, NCHUNK, body, 0)
    wait_store()


def kernel(input_ids, word_table):
    ids32 = input_ids.astype(jnp.int32)
    pair_idx = (ids32 >> 1).reshape(NUM_WORKERS, NCHUNK, CHUNK)
    pairs = jnp.concatenate(
        [word_table[0::2], word_table[1::2]], axis=1)
    out2 = _gather_kernel(pair_idx, pairs)
    out3 = out2.reshape(BATCH, SEQ, 2 * HIDDEN)
    par3 = (ids32 & 1)[:, :, None]
    return jnp.where(par3 == 1, out3[:, :, HIDDEN:], out3[:, :, :HIDDEN])

# --- scband reference (transcript-rebuilt; emitter-appended) ---
"""Pipeline reference for scband-word-embeddings-base-6339371729220 (READ-ONLY COPY).

The authoritative reference and input builder live on the scoring server;
editing this copy changes nothing except your own understanding.
"""

import jax, jax.numpy as jnp
import numpy as np

VOCAB = 1000000
HIDDEN = 64
PAD_IDX = 0
BATCH = 4096
SEQ = 200


def setup_inputs(seed: int = 0) -> dict:
    key = jax.random.key(seed)
    k_idx, k_tab = jax.random.split(key)
    input_ids = jax.random.randint(k_idx, (BATCH, SEQ), 0, VOCAB, dtype=jnp.int64) if jax.config.jax_enable_x64 else jax.random.randint(k_idx, (BATCH, SEQ), 0, VOCAB, dtype=jnp.int32)
    word_table = jax.random.normal(k_tab, (VOCAB, HIDDEN), dtype=jnp.float32) * 0.02
    # nn.Embedding(padding_idx=0) keeps the padding row at zeros
    word_table = word_table.at[PAD_IDX].set(0.0)
    return {"input_ids": input_ids, "word_table": word_table}


def reference(input_ids, word_table):
    # WordEmbeddingsBase forward: word embedding lookup.
    # max_position=0 -> no position embeddings.
    # VariationalNormalEpanechnikovDropout is identity in eval mode.
    emb = jnp.take(word_table, input_ids, axis=0)
    return emb

if __name__ == "__main__":
    import jax
    _d = setup_inputs()
    print(jax.jit(kernel)(*tuple(_d.values())))

</pallas_src>

<mosaic_0001>
#map = affine_map<(d0, d1) -> (0, 0, 0)>
#map1 = affine_map<(d0, d1) -> (0, 0)>
module attributes {stable_mosaic.version = 14 : i64} {
  func.func @_gather_kernel(%arg0: i32, %arg1: i32, %arg2: memref<32x200x128xi32, #tpu.memory_space<hbm>>, %arg3: memref<500000x128xf32, #tpu.memory_space<hbm>>, %arg4: memref<819200x128xf32, #tpu.memory_space<hbm>>, %arg5: memref<200x128xi32, #tpu.memory_space<vmem>>, %arg6: memref<2x128x128xf32, #tpu.memory_space<vmem>>, %arg7: memref<!tpu.dma_semaphore, #tpu.memory_space<semaphore_mem>>, %arg8: memref<!tpu.dma_semaphore, #tpu.memory_space<semaphore_mem>>) attributes {dimension_semantics = [#tpu.dimension_semantics<core_parallel>, #tpu.dimension_semantics<subcore_parallel>], iteration_bounds = array<i64: 2, 16>, scalar_prefetch = 0 : i64, scratch_operands = 4 : i64, tpu.core_type = #tpu.core_type<sc_vector_subcore>, window_params = [{transform_indices = #map}, {transform_indices = #map1}, {transform_indices = #map1}]} {
    %mul3A = arith.constant 2 : i32
    %mul3A_0 = arith.muli %arg1, %mul3A : i32
    %add3A = arith.addi %mul3A_0, %arg0 : i32
    %mul3A_1 = arith.constant 25600 : i32
    %mul3A_2 = arith.muli %add3A, %mul3A_1 : i32
    "tpu.region"() ({
      %run_scoped3A = tpu.sem_alloc : memref<!tpu.dma_semaphore, #tpu.memory_space<semaphore_mem>>
      %dma_start3A_31 = arith.constant 0 : i32
      %dma_start3A_32 = arith.constant 0 : i32
      %dma_start3A_33 = tpu.memref_slice %arg2[%add3A, %dma_start3A_31, %dma_start3A_32] : memref<32x200x128xi32, #tpu.memory_space<hbm>> -> memref<1x200x128xi32, #tpu.memory_space<hbm>>
      %dma_start3A_34 = tpu.memref_squeeze %dma_start3A_33 : memref<1x200x128xi32, #tpu.memory_space<hbm>> -> memref<200x128xi32, #tpu.memory_space<hbm>>
      %dma_start3A_35 = arith.constant 0 : i32
      %dma_start3A_36 = arith.constant 0 : i32
      %dma_start3A_37 = tpu.memref_slice %arg2[%add3A, %dma_start3A_35, %dma_start3A_36] : memref<32x200x128xi32, #tpu.memory_space<hbm>> -> memref<1x200x128xi32, #tpu.memory_space<hbm>>
      %dma_start3A_38 = tpu.memref_squeeze %dma_start3A_37 : memref<1x200x128xi32, #tpu.memory_space<hbm>> -> memref<200x128xi32, #tpu.memory_space<hbm>>
      tpu.enqueue_dma source(%dma_start3A_38 : memref<200x128xi32, #tpu.memory_space<hbm>>) target(%arg5 : memref<200x128xi32, #tpu.memory_space<vmem>>) target_semaphore(%run_scoped3A : memref<!tpu.dma_semaphore, #tpu.memory_space<semaphore_mem>>)
      %dma_wait3A_39 = arith.constant 0 : i32
      %dma_wait3A_40 = arith.constant 0 : i32
      %dma_wait3A_41 = tpu.memref_slice %arg2[%add3A, %dma_wait3A_39, %dma_wait3A_40] : memref<32x200x128xi32, #tpu.memory_space<hbm>> -> memref<1x200x128xi32, #tpu.memory_space<hbm>>
      %dma_wait3A_42 = tpu.memref_squeeze %dma_wait3A_41 : memref<1x200x128xi32, #tpu.memory_space<hbm>> -> memref<200x128xi32, #tpu.memory_space<hbm>>
      %dma_wait3A_43 = arith.constant 0 : i32
      %dma_wait3A_44 = arith.constant 0 : i32
      %dma_wait3A_45 = tpu.memref_slice %arg2[%add3A, %dma_wait3A_43, %dma_wait3A_44] : memref<32x200x128xi32, #tpu.memory_space<hbm>> -> memref<1x200x128xi32, #tpu.memory_space<hbm>>
      %dma_wait3A_46 = tpu.memref_squeeze %dma_wait3A_45 : memref<1x200x128xi32, #tpu.memory_space<hbm>> -> memref<200x128xi32, #tpu.memory_space<hbm>>
      tpu.wait_dma2 semaphore(%run_scoped3A : memref<!tpu.dma_semaphore, #tpu.memory_space<semaphore_mem>>) src(%dma_wait3A_46 : memref<200x128xi32, #tpu.memory_space<hbm>>) dst(%arg5 : memref<200x128xi32, #tpu.memory_space<vmem>>)
      tpu.yield
    }) : () -> ()
    %dma_start3A = arith.constant 0 : i32
    %dma_start3A_3 = arith.constant 0 : i32
    %dma_start3A_4 = arith.constant 0 : i32
    %dma_start3A_5 = arith.constant 0 : i32
    %dma_start3A_6 = tpu.memref_slice %arg6[%dma_start3A_3, %dma_start3A_4, %dma_start3A_5] : memref<2x128x128xf32, #tpu.memory_space<vmem>> -> memref<1x128x128xf32, #tpu.memory_space<vmem>>
    %dma_start3A_7 = tpu.memref_squeeze %dma_start3A_6 : memref<1x128x128xf32, #tpu.memory_space<vmem>> -> memref<128x128xf32, #tpu.memory_space<vmem>>
    %dma_start3A_8 = arith.constant 0 : i32
    %dma_start3A_9 = tpu.memref_slice %arg5[%dma_start3A, %dma_start3A_8] : memref<200x128xi32, #tpu.memory_space<vmem>> -> memref<1x128xi32, #tpu.memory_space<vmem>>
    %dma_start3A_10 = tpu.memref_squeeze %dma_start3A_9 : memref<1x128xi32, #tpu.memory_space<vmem>> -> memref<128xi32, #tpu.memory_space<vmem>>
    %dma_start3A_11 = arith.constant 0 : i32
    %dma_start3A_12 = arith.constant 0 : i32
    %dma_start3A_13 = tpu.memref_slice %arg3[%dma_start3A_11, %dma_start3A_12] : memref<500000x128xf32, #tpu.memory_space<hbm>> -> memref<500000x128xf32, #tpu.memory_space<hbm>>
    tpu.enqueue_indirect_dma source(%dma_start3A_13 : memref<500000x128xf32, #tpu.memory_space<hbm>>) target(%dma_start3A_7 : memref<128x128xf32, #tpu.memory_space<vmem>>) offsets(%dma_start3A_10 : memref<128xi32, #tpu.memory_space<vmem>>) semaphore(%arg7 : memref<!tpu.dma_semaphore, #tpu.memory_space<semaphore_mem>>)
    %scan3A = arith.constant 0 : i32
    %scan3A_14 = arith.constant 0 : i32
    %scan3A_15 = arith.constant 200 : i32
    %scan3A_16 = arith.addi %scan3A_14, %scan3A_15 : i32
    %scan3A_17 = arith.constant 1 : i32
    scf.for %scan3A_31 = %scan3A_14 to %scan3A_16 step %scan3A_17  : i32 {
      %ge3A = arith.constant 1 : i32
      %ge3A_32 = arith.cmpi sge, %scan3A_31, %ge3A : i32
      %convert_element_type3A = arith.extui %ge3A_32 : i1 to i32
      %cond3A = arith.constant 0 : i32
      %cond3A_33 = arith.cmpi ne, %convert_element_type3A, %cond3A : i32
      scf.if %cond3A_33 {
        %dma_wait3A_77 = arith.constant 0 : i32
        %dma_wait3A_78 = arith.constant 0 : i32
        %dma_wait3A_79 = arith.constant 0 : i32
        %dma_wait3A_80 = tpu.memref_slice %arg6[%dma_wait3A_77, %dma_wait3A_78, %dma_wait3A_79] : memref<2x128x128xf32, #tpu.memory_space<vmem>> -> memref<1x128x128xf32, #tpu.memory_space<vmem>>
        %dma_wait3A_81 = tpu.memref_squeeze %dma_wait3A_80 : memref<1x128x128xf32, #tpu.memory_space<vmem>> -> memref<128x128xf32, #tpu.memory_space<vmem>>
        %dma_wait3A_82 = arith.constant 0 : i32
        %dma_wait3A_83 = tpu.memref_slice %arg4[%mul3A_2, %dma_wait3A_82] : memref<819200x128xf32, #tpu.memory_space<hbm>> -> memref<128x128xf32, #tpu.memory_space<hbm>>
        %dma_wait3A_84 = arith.constant 0 : i32
        %dma_wait3A_85 = tpu.memref_slice %arg4[%mul3A_2, %dma_wait3A_84] : memref<819200x128xf32, #tpu.memory_space<hbm>> -> memref<128x128xf32, #tpu.memory_space<hbm>>
        %dma_wait3A_86 = arith.constant 0 : i32
        %dma_wait3A_87 = arith.constant 0 : i32
        %dma_wait3A_88 = tpu.memref_slice %arg6[%dma_wait3A_77, %dma_wait3A_86, %dma_wait3A_87] : memref<2x128x128xf32, #tpu.memory_space<vmem>> -> memref<1x128x128xf32, #tpu.memory_space<vmem>>
        %dma_wait3A_89 = tpu.memref_squeeze %dma_wait3A_88 : memref<1x128x128xf32, #tpu.memory_space<vmem>> -> memref<128x128xf32, #tpu.memory_space<vmem>>
        tpu.wait_dma2 semaphore(%arg8 : memref<!tpu.dma_semaphore, #tpu.memory_space<semaphore_mem>>) src(%dma_wait3A_89 : memref<128x128xf32, #tpu.memory_space<vmem>>) dst(%dma_wait3A_85 : memref<128x128xf32, #tpu.memory_space<hbm>>)
      } else {
      }
      %add3A_34 = arith.constant 1 : i32
      %add3A_35 = arith.addi %scan3A_31, %add3A_34 : i32
      %lt3A = arith.constant 200 : i32
      %lt3A_36 = arith.cmpi slt, %add3A_35, %lt3A : i32
      %convert_element_type3A_37 = arith.extui %lt3A_36 : i1 to i32
      %cond3A_38 = arith.constant 0 : i32
      %cond3A_39 = arith.cmpi ne, %convert_element_type3A_37, %cond3A_38 : i32
      scf.if %cond3A_39 {
        %add3A_77 = arith.constant 1 : i32
        %add3A_78 = arith.addi %scan3A_31, %add3A_77 : i32
        %jit3A_79 = arith.constant 2 : i32
        %eq3A_80 = arith.constant 0 : i32
        %eq3A_81 = arith.cmpi eq, %jit3A_79, %eq3A_80 : i32
        %jit3A_82 = arith.constant 1 : i32
        %select_n3A_83 = arith.select %eq3A_81, %jit3A_82, %jit3A_79 : i32
        %rem3A_84 = arith.remsi %add3A_78, %select_n3A_83 : i32
        %ne3A_85 = arith.constant 0 : i32
        %ne3A_86 = arith.cmpi ne, %rem3A_84, %ne3A_85 : i32
        %lt3A_87 = arith.constant 0 : i32
        %lt3A_88 = arith.cmpi slt, %rem3A_84, %lt3A_87 : i32
        %lt3A_89 = arith.constant 0 : i32
        %lt3A_90 = arith.cmpi slt, %select_n3A_83, %lt3A_89 : i32
        %ne3A_91 = arith.xori %lt3A_88, %lt3A_90 : i1
        %and3A_92 = arith.andi %ne3A_91, %ne3A_86 : i1
        %add3A_93 = arith.addi %rem3A_84, %select_n3A_83 : i32
        %select_n3A_94 = arith.select %and3A_92, %add3A_93, %rem3A_84 : i32
        %dma_start3A_95 = arith.constant 0 : i32
        %dma_start3A_96 = arith.constant 0 : i32
        %dma_start3A_97 = tpu.memref_slice %arg6[%select_n3A_94, %dma_start3A_95, %dma_start3A_96] : memref<2x128x128xf32, #tpu.memory_space<vmem>> -> memref<1x128x128xf32, #tpu.memory_space<vmem>>
        %dma_start3A_98 = tpu.memref_squeeze %dma_start3A_97 : memref<1x128x128xf32, #tpu.memory_space<vmem>> -> memref<128x128xf32, #tpu.memory_space<vmem>>
        %dma_start3A_99 = arith.constant 0 : i32
        %dma_start3A_100 = tpu.memref_slice %arg5[%add3A_78, %dma_start3A_99] : memref<200x128xi32, #tpu.memory_space<vmem>> -> memref<1x128xi32, #tpu.memory_space<vmem>>
        %dma_start3A_101 = tpu.memref_squeeze %dma_start3A_100 : memref<1x128xi32, #tpu.memory_space<vmem>> -> memref<128xi32, #tpu.memory_space<vmem>>
        %dma_start3A_102 = arith.constant 0 : i32
        %dma_start3A_103 = arith.constant 0 : i32
        %dma_start3A_104 = tpu.memref_slice %arg3[%dma_start3A_102, %dma_start3A_103] : memref<500000x128xf32, #tpu.memory_space<hbm>> -> memref<500000x128xf32, #tpu.memory_space<hbm>>
        tpu.enqueue_indirect_dma source(%dma_start3A_104 : memref<500000x128xf32, #tpu.memory_space<hbm>>) target(%dma_start3A_98 : memref<128x128xf32, #tpu.memory_space<vmem>>) offsets(%dma_start3A_101 : memref<128xi32, #tpu.memory_space<vmem>>) semaphore(%arg7 : memref<!tpu.dma_semaphore, #tpu.memory_space<semaphore_mem>>)
      } else {
      }
      %dma_wait3A_40 = arith.constant 0 : i32
      %dma_wait3A_41 = arith.constant 0 : i32
      %dma_wait3A_42 = arith.constant 0 : i32
      %dma_wait3A_43 = arith.constant 0 : i32
      %dma_wait3A_44 = tpu.memref_slice %arg6[%dma_wait3A_41, %dma_wait3A_42, %dma_wait3A_43] : memref<2x128x128xf32, #tpu.memory_space<vmem>> -> memref<1x128x128xf32, #tpu.memory_space<vmem>>
      %dma_wait3A_45 = tpu.memref_squeeze %dma_wait3A_44 : memref<1x128x128xf32, #tpu.memory_space<vmem>> -> memref<128x128xf32, #tpu.memory_space<vmem>>
      %dma_wait3A_46 = arith.constant 0 : i32
      %dma_wait3A_47 = tpu.memref_slice %arg5[%dma_wait3A_40, %dma_wait3A_46] : memref<200x128xi32, #tpu.memory_space<vmem>> -> memref<1x128xi32, #tpu.memory_space<vmem>>
      %dma_wait3A_48 = tpu.memref_squeeze %dma_wait3A_47 : memref<1x128xi32, #tpu.memory_space<vmem>> -> memref<128xi32, #tpu.memory_space<vmem>>
      %dma_wait3A_49 = arith.constant 0 : i32
      %dma_wait3A_50 = arith.constant 0 : i32
      %dma_wait3A_51 = tpu.memref_slice %arg3[%dma_wait3A_49, %dma_wait3A_50] : memref<500000x128xf32, #tpu.memory_space<hbm>> -> memref<500000x128xf32, #tpu.memory_space<hbm>>
      tpu.wait_indirect_dma semaphore(%arg7 : memref<!tpu.dma_semaphore, #tpu.memory_space<semaphore_mem>>) src(%dma_wait3A_51 : memref<500000x128xf32, #tpu.memory_space<hbm>>) dst(%dma_wait3A_45 : memref<128x128xf32, #tpu.memory_space<vmem>>)
      %jit3A = arith.constant 2 : i32
      %eq3A = arith.constant 0 : i32
      %eq3A_52 = arith.cmpi eq, %jit3A, %eq3A : i32
      %jit3A_53 = arith.constant 1 : i32
      %select_n3A = arith.select %eq3A_52, %jit3A_53, %jit3A : i32
      %rem3A = arith.remsi %scan3A_31, %select_n3A : i32
      %ne3A = arith.constant 0 : i32
      %ne3A_54 = arith.cmpi ne, %rem3A, %ne3A : i32
      %lt3A_55 = arith.constant 0 : i32
      %lt3A_56 = arith.cmpi slt, %rem3A, %lt3A_55 : i32
      %lt3A_57 = arith.constant 0 : i32
      %lt3A_58 = arith.cmpi slt, %select_n3A, %lt3A_57 : i32
      %ne3A_59 = arith.xori %lt3A_56, %lt3A_58 : i1
      %and3A = arith.andi %ne3A_59, %ne3A_54 : i1
      %add3A_60 = arith.addi %rem3A, %select_n3A : i32
      %select_n3A_61 = arith.select %and3A, %add3A_60, %rem3A : i32
      %mul3A_62 = arith.constant 128 : i32
      %mul3A_63 = arith.muli %scan3A_31, %mul3A_62 : i32
      %add3A_64 = arith.addi %mul3A_2, %mul3A_63 : i32
      %dma_start3A_65 = arith.constant 0 : i32
      %dma_start3A_66 = arith.constant 0 : i32
      %dma_start3A_67 = tpu.memref_slice %arg6[%select_n3A_61, %dma_start3A_65, %dma_start3A_66] : memref<2x128x128xf32, #tpu.memory_space<vmem>> -> memref<1x128x128xf32, #tpu.memory_space<vmem>>
      %dma_start3A_68 = tpu.memref_squeeze %dma_start3A_67 : memref<1x128x128xf32, #tpu.memory_space<vmem>> -> memref<128x128xf32, #tpu.memory_space<vmem>>
      %dma_start3A_69 = arith.constant 0 : i32
      %dma_start3A_70 = tpu.memref_slice %arg4[%add3A_64, %dma_start3A_69] : memref<819200x128xf32, #tpu.memory_space<hbm>> -> memref<128x128xf32, #tpu.memory_space<hbm>>
      %dma_start3A_71 = arith.constant 0 : i32
      %dma_start3A_72 = tpu.memref_slice %arg4[%add3A_64, %dma_start3A_71] : memref<819200x128xf32, #tpu.memory_space<hbm>> -> memref<128x128xf32, #tpu.memory_space<hbm>>
      %dma_start3A_73 = arith.constant 0 : i32
      %dma_start3A_74 = arith.constant 0 : i32
      %dma_start3A_75 = tpu.memref_slice %arg6[%select_n3A_61, %dma_start3A_73, %dma_start3A_74] : memref<2x128x128xf32, #tpu.memory_space<vmem>> -> memref<1x128x128xf32, #tpu.memory_space<vmem>>
      %dma_start3A_76 = tpu.memref_squeeze %dma_start3A_75 : memref<1x128x128xf32, #tpu.memory_space<vmem>> -> memref<128x128xf32, #tpu.memory_space<vmem>>
      tpu.enqueue_dma source(%dma_start3A_76 : memref<128x128xf32, #tpu.memory_space<vmem>>) target(%dma_start3A_72 : memref<128x128xf32, #tpu.memory_space<hbm>>) target_semaphore(%arg8 : memref<!tpu.dma_semaphore, #tpu.memory_space<semaphore_mem>>)
    }
    %scan3A_18 = arith.constant 200 : i32
    %dma_wait3A = arith.constant 0 : i32
    %dma_wait3A_19 = arith.constant 0 : i32
    %dma_wait3A_20 = arith.constant 0 : i32
    %dma_wait3A_21 = tpu.memref_slice %arg6[%dma_wait3A, %dma_wait3A_19, %dma_wait3A_20] : memref<2x128x128xf32, #tpu.memory_space<vmem>> -> memref<1x128x128xf32, #tpu.memory_space<vmem>>
    %dma_wait3A_22 = tpu.memref_squeeze %dma_wait3A_21 : memref<1x128x128xf32, #tpu.memory_space<vmem>> -> memref<128x128xf32, #tpu.memory_space<vmem>>
    %dma_wait3A_23 = arith.constant 0 : i32
    %dma_wait3A_24 = tpu.memref_slice %arg4[%mul3A_2, %dma_wait3A_23] : memref<819200x128xf32, #tpu.memory_space<hbm>> -> memref<128x128xf32, #tpu.memory_space<hbm>>
    %dma_wait3A_25 = arith.constant 0 : i32
    %dma_wait3A_26 = tpu.memref_slice %arg4[%mul3A_2, %dma_wait3A_25] : memref<819200x128xf32, #tpu.memory_space<hbm>> -> memref<128x128xf32, #tpu.memory_space<hbm>>
    %dma_wait3A_27 = arith.constant 0 : i32
    %dma_wait3A_28 = arith.constant 0 : i32
    %dma_wait3A_29 = tpu.memref_slice %arg6[%dma_wait3A, %dma_wait3A_27, %dma_wait3A_28] : memref<2x128x128xf32, #tpu.memory_space<vmem>> -> memref<1x128x128xf32, #tpu.memory_space<vmem>>
    %dma_wait3A_30 = tpu.memref_squeeze %dma_wait3A_29 : memref<1x128x128xf32, #tpu.memory_space<vmem>> -> memref<128x128xf32, #tpu.memory_space<vmem>>
    tpu.wait_dma2 semaphore(%arg8 : memref<!tpu.dma_semaphore, #tpu.memory_space<semaphore_mem>>) src(%dma_wait3A_30 : memref<128x128xf32, #tpu.memory_space<vmem>>) dst(%dma_wait3A_26 : memref<128x128xf32, #tpu.memory_space<hbm>>)
    return
  }
}

</mosaic_0001>

<sc_bundles>
// kernel: kernel.3.cloned.1.call-start
scs
__scs_entry_jumppad:
0x0: {  	(pc) =	sbr.rel $0x88, $3  }
0x1: {  	(tag) =	ssettag $0x0;
	lr =	simm.s32 $0x1  }
0x2: {  	[smem:$0x3F9F] =	sst lr;
	_ =	strace $0xD0000000  }
0x3: {  	_ = 	snop  }
0x4: {  	_ = 	snop  }
0x5: {  	_ = 	snop  }
0x6: {  	_ = 	snop  }
0x7: {  	_ = 	snop  }
__scs_overlays_trampoline_lowered:
0x8: {  	[smem:$0x3FAE] =	sst s0  }
0x9: {  	[smem:$0x3FAF] =	sst s1  }
0xa: {  	[smem:$0x3FB0] =	sst s2  }
0xb: {  	[smem:$0x3FB1] =	sst s3  }
0xc: {  	[smem:$0x3FB2] =	sst s4  }
0xd: {  	[smem:$0x3FB3] =	sst s5  }
0xe: {  	[smem:$0x3FB4] =	sst s6  }
0xf: {  	[smem:$0x3FB5] =	sst s7  }
0x10: {  	[smem:$0x3FB6] =	sst s8  }
0x11: {  	[smem:$0x3FB7] =	sst s9;
	s0 =	simm.s32 @!p0 $0x0  }
0x12: {  	s1 =	sld [smem:$0x3F9D];
	s0 =	simm.s32 @p0 $0x1  }
0x13: {  	[smem:$0x3FB8] =	sst s0;
	s0 =	simm.s32 @!p1 $0x0  }
0x14: {  	s2 =	sld [smem:$0x3F9C];
	s0 =	simm.s32 @p1 $0x1  }
0x15: {  	[smem:$0x3FB9] =	sst s0;
	s0 =	simm.s32 @!p2 $0x0  }
0x16: {  	s3 =	sld [smem:$0x3FDB];
	s0 =	simm.s32 @p2 $0x1  }
0x17: {  	s4 =	simm.s32 $0x1BF5;
	[smem:$0x3FBB] =	sst s0  }
0x18: {  	s0 =	sld [smem:$0x3F9E];
	_ =	swait.ge [sflag:s4], $0x0  }
0x19: {  	s7 =	sld [smem:$0x3F9F]  }
0x1a: {  	s8 =	sadd.s32 $0xFFFFE003, lr  }
0x1b: {  	s9 =	sadd.s32 $0xFFFFFEF7, lr;
	s5 =	simm.s32 $0xFFFFFFFF;
	p2 =	slt.u32 s8, $0xFFFFF086  }
0x1c: {  	p1 =	slt.u32 s9, $0xF7A;
	s5 =	simm.s32 @!p2 $0x0  }
0x1d: {  	s5 =	simm.s32 @p1 $0x1;
	p0 =	seq.s32 s7, s2  }
0x1e: {  	s7 =	smul.u32 @!p0 $0xF7A, s2;
	p2 =	seq.s32 @!p0 s5, $0x0  }
0x1f: {  	s9 =	smul.u32 $0xF7A, s1;
	s8 =	simm.s32 @!p0 $0x1BF5;
	p2 =	por !p2, p0  }
0x20: {  	[sflag:s8] =	ssyncset.s32 @!p0 $0xFFFFF086;
	s6 =	sadd.s32 @!p0 s3, s7;
	s7 =	simm.s32 @!p0 $0x108  }
0x21: {  	s3 =	sadd.s32 s3, s9;
	s6 =	sadd.s32 @!p0 $0x88, s6;
	s7 =	simm.s32 @p2 $0x1082  }
0x22: {  	[simem:s7], [sflag:s8] =	dma.local @!p0 [hbm:s6], $0xF7A  }
0x23: {  	s9 =	sor.u32 $0xD0000000, s2;
	s6 =	simm.s32 $0x108;
	_ =	swait.ge @!p0 [sflag:s8], $0x0  }
0x24: {  	s3 =	sadd.s32 $0x88, s3;
	s6 =	simm.s32 @!p1 $0x1082;
	[sflag:s4] =	ssyncset.s32 $0xFFFFF086  }
0x25: {  	[simem:s6], [sflag:s4] =	dma.local [hbm:s3], $0xF7A  }
0x26: {  	[smem:$0x3F9F] =	sst s1;
	(tag) =	ssettag s2;
	_ =	strace s9  }
0x27: {  	s1 =	sld [smem:$0x3FAF]  }
0x28: {  	s2 =	sld [smem:$0x3FB0]  }
0x29: {  	s4 =	sld [smem:$0x3FB2]  }
0x2a: {  	p0 =	seq.s32 s5, $0x0;
	s5 =	sld [smem:$0x3FB3]  }
0x2b: {  	s6 =	sld [smem:$0x3FB4]  }
0x2c: {  	s7 =	sld [smem:$0x3FB5]  }
0x2d: {  	s3 =	simm.s32 $0x108;
	s8 =	sld [smem:$0x3FB6]  }
0x2e: {  	s3 =	simm.s32 @!p0 $0x1082;
	s9 =	sld [smem:$0x3FB7]  }
0x2f: {  	lr =	sadd.s32 s0, s3;
	s0 =	sld [smem:$0x3FAE]  }
0x30: {  	s3 =	sld [smem:$0x3FB1]  }
0x31: {  	[smem:$0x3FBA] =	sst s10  }
0x32: {  	s10 =	sld [smem:$0x3FB8];
	_ =	sdelay $0x3  }
0x33: {  	p0 =	seq.s32 s10, $0x1;
	s10 =	sld [smem:$0x3FBA];
	_ =	sdelay $0x3  }
0x34: {  	[smem:$0x3FBA] =	sst s10  }
0x35: {  	s10 =	sld [smem:$0x3FB9];
	_ =	sdelay $0x3  }
0x36: {  	p1 =	seq.s32 s10, $0x1;
	s10 =	sld [smem:$0x3FBA];
	_ =	sdelay $0x3  }
0x37: {  	[smem:$0x3FBA] =	sst s10  }
0x38: {  	s10 =	sld [smem:$0x3FBB]  }
0x39: {  	_ = 	snop;
	(pc) =	sbr.ind lr, $3  }
0x3a: {  	_ = 	snop  }
0x3b: {  	_ = 	snop  }
0x3c: {  	p2 =	seq.s32 s10, $0x1;
	s10 =	sld [smem:$0x3FBA]  }
0x3d: {  	_ =	shalt  }
0x3e: {  	_ =	shalt  }
0x3f: {  	_ =	shalt  }
0x40: {  	_ =	shalt  }
0x41: {  	_ =	shalt  }
0x42: {  	_ =	shalt  }
0x43: {  	_ =	shalt  }
0x44: {  	_ =	shalt  }
0x45: {  	_ =	shalt  }
0x46: {  	_ =	shalt  }
0x47: {  	_ =	shalt  }
0x48: {  	_ =	shalt  }
0x49: {  	_ =	shalt  }
0x4a: {  	_ =	shalt  }
0x4b: {  	_ =	shalt  }
0x4c: {  	_ =	shalt  }
0x4d: {  	_ =	shalt  }
0x4e: {  	_ =	shalt  }
0x4f: {  	_ =	shalt  }
0x50: {  	_ =	shalt  }
0x51: {  	_ =	shalt  }
0x52: {  	_ =	shalt  }
0x53: {  	_ =	shalt  }
0x54: {  	_ =	shalt  }
0x55: {  	_ =	shalt  }
0x56: {  	_ =	shalt  }
0x57: {  	_ =	shalt  }
0x58: {  	_ =	shalt  }
0x59: {  	_ =	shalt  }
0x5a: {  	_ =	shalt  }
0x5b: {  	_ =	shalt  }
0x5c: {  	_ =	shalt  }
0x5d: {  	_ =	shalt  }
0x5e: {  	_ =	shalt  }
0x5f: {  	_ =	shalt  }
0x60: {  	_ =	shalt  }
0x61: {  	_ =	shalt  }
0x62: {  	_ =	shalt  }
0x63: {  	_ =	shalt  }
0x64: {  	_ =	shalt  }
0x65: {  	_ =	shalt  }
0x66: {  	_ =	shalt  }
0x67: {  	_ =	shalt  }
0x68: {  	_ =	shalt  }
0x69: {  	_ =	shalt  }
0x6a: {  	_ =	shalt  }
0x6b: {  	_ =	shalt  }
0x6c: {  	_ =	shalt  }
0x6d: {  	_ =	shalt  }
0x6e: {  	_ =	shalt  }
0x6f: {  	_ =	shalt  }
0x70: {  	_ =	shalt  }
0x71: {  	_ =	shalt  }
0x72: {  	_ =	shalt  }
0x73: {  	_ =	shalt  }
0x74: {  	_ =	shalt  }
0x75: {  	_ =	shalt  }
0x76: {  	_ =	shalt  }
0x77: {  	_ =	shalt  }
0x78: {  	_ =	shalt  }
0x79: {  	_ =	shalt  }
0x7a: {  	_ =	shalt  }
0x7b: {  	_ =	shalt  }
0x7c: {  	_ =	shalt  }
0x7d: {  	_ =	shalt  }
0x7e: {  	_ =	shalt  }
0x7f: {  	_ =	shalt  }
0x80: {  	_ =	shalt  }
0x81: {  	_ =	shalt  }
0x82: {  	_ =	shalt  }
0x83: {  	_ =	shalt  }
0x84: {  	_ =	shalt  }
0x85: {  	_ =	shalt  }
0x86: {  	_ =	shalt  }
0x87: {  	_ =	shalt  }
.Lfunc_end0:
.L_simem_size_0:
called_computation.2_lowered:
.L_overlay_start_0:
0x88: {  	s2 =	sld [smem:$0x3FD9]  }
0x89: {  	s3 =	sld [smem:$0x3FFE];
	_ =	sdelay $0x1  }
0x8a: {  	s1 =	srdreg.scid  }
0x8b: {  	s0 =	sand.u32 $0x1, s1  }
0x8c: {  	s16 =	sshll.u32 s0, $0xA;
	s2 =	sadd.s32 s3, s2  }
0x8d: {  	s2 =	sadd.s32 s2, s16  }
0x8e: {  	[smem:$0x3FC6] =	sst s2  }
0x8f: {  	_ = 	snop  }
0x90: {  	(tm) =	ssettm $0x1  }
0x91: {  	s17 =	sld [smem:$0x3FFB];
	_ =	sdelay $0x3  }
0x92: {  	_ =	strace s17  }
0x93: {  	s2 =	sld [smem:$0x3FFC];
	_ =	sdelay $0x3  }
0x94: {  	_ =	strace s2  }
0x95: {  	s2 =	sld [smem:$0x3FFD];
	_ =	sdelay $0x3  }
0x96: {  	_ =	strace s2  }
0x97: {  	_ =	strace $0x8FFFFFFF  }
0x98: {  	s18 =	sld [smem:$0x3FDB];
	_ =	sdelay $0x1  }
0x99: {  	s19 =	simm.s32 $_scs_section_size  }
0x9a: {  	s4 =	simm.s32 $_size__tile_overlayer_lowered;
	s5 =	simm.s32 $_tile_overlayer_lowered  }
0x9b: {  	s22 =	simm.s32 $0x1BFF;
	s21 =	sshll.u32 s5, $0x1;
	s2 =	sadd.s32 s19, s18  }
0x9c: {  	s6 =	simm.s32 $0x0;
	s20 =	sshll.u32 s4, $0x1;
	s4 =	sadd.s32 s21, s2  }
0x9d: {  	[timem:s6], [sflag:s22] =	dma.local [hbm:s4], s20  }
0x9e: {  	_ =	swait.ge [sflag:s22], s20  }
0x9f: {  	s3 =	ssub.s32 $0x0, s20;
	[sflag:s22] =	ssyncset.done $0x0  }
0xa0: {  	[sflag:s22] =	ssyncadd.s32 s3;
	_ =	sdelay $0x1  }
0xa1: {  	s23 =	simm.s32 $0x1B8B  }
0xa2: {  	_ =	swait.ge [sflag:s23], $0x1  }
0xa3: {  	[sflag:s23] =	ssyncset.done $0x0  }
0xa4: {  	s25 =	simm.s32 $0x1B8E;
	s24 =	sld [smem:$0x3FFE];
	[sflag:s23] =	ssyncadd.s32 $0xFFFFFFFF  }
0xa5: {  	s26 =	simm.s32 $execute0_lowered;
	[smem:$0x3FD2] =	sst s25  }
0xa6: {  	s4 =	sshll.u32 s26, $0x1;
	_ =	strace $0x8000004C;
	[dreg:$0x1] =	wrdreg $0xFFFFFFFF  }
0xa7: {  	s28 =	simm.s32 $_size_execute0_lowered;
	s2 =	sadd.s32 s2, s4;
	[dreg:$0x0] =	wrdreg $0x0  }
0xa8: {  	s4 =	sshll.u32 s28, $0x1;
	[dreg:$0x2] =	wrdreg s2  }
0xa9: {  	[dreg:$0x3] =	wrdreg s4  }
0xaa: {  	[dreg:$0x4] =	wrdreg $0xC0  }
0xab: {  	_ =	task [dreg:s6], $0x5FFFF  }
0xac: {  	[dreg:$0x1] =	wrdreg $0xFFFFFFFF  }
0xad: {  	[dreg:$0x0] =	wrdreg $0x60  }
0xae: {  	[dreg:$0x2] =	wrdreg s24  }
0xaf: {  	[dreg:$0x3] =	wrdreg $0x9  }
0xb0: {  	_ =	task.clear_ibuf [dreg:s6], $0x4FFFF;
	_ =	strace $0x9000004C  }
0xb1: {  	s29 =	simm.s32 $0x9;
	_ =	strace $0x8000004E  }
0xb2: {  	_ =	swait.ge [sflag:s29], $0x1  }
0xb3: {  	[sflag:s29] =	ssyncadd.s32 $0xFFFFFFFF  }
0xb4: {  	_ =	strace $0x9000004E  }
0xb5: {  	_ =	sfence  }
0xb6: {  	s30 =	sld [smem:$0x0];
	_ =	sdelay $0x2  }
0xb7: {  	s31 =	sshll.u32 s1, $0xD;
	s1 =	sshrl.u32 s1, $0x2  }
0xb8: {  	s3 =	sand.u32 $0x4000, s31;
	s1 =	sadd.s32 s1, s30  }
0xb9: {  	s0 =	sor.u32 s3, s0;
	s1 =	sshll.u32 s1, $0x11  }
0xba: {  	s0 =	sor.u32 s1, s0  }
0xbb: {  	s0 =	sadd.s32 $0x8F2B, s0  }
0xbc: {  	[sflag:s0] =	ssyncadd.remote.s32 $0x1  }
0xbd: {  	_ =	sfence.sel $0xFFFF  }
0xbe: {  	[dreg:$0x0] =	wrdreg $0xFFFFFFFF;
	(pc) =	sbr.abs _section_cstart, $3  }
0xbf: {  	[dreg:$0x1] =	wrdreg $0xFFFFFFFF  }
0xc0: {  	_ =	task.clear_ibuf [dreg:s6], $0x2FFFF;
	_ =	strace $0x9FFFFFFF  }
0xc1: {  	(tm) =	ssettm $0x7FFFFFFF  }
tec
execute0_lowered:
.L_overlay_start_1:
0x0: {  	(tag) =	ssettag $0x1  }
0x1: {  	s1 =	srdreg.scid  }
0x2: {  	s0 =	stileid.u32;
	s4 =	rddreg [dreg:$0x0]  }
0x3: {  	s2 =	simm.s32 $0x0;
	s9 =	simm.s32 $0x80;
	s10 =	simm.s32 $0x6400  }
0x4: {  	s11 =	simm.s32 $0x1;
	s12 =	simm.s32 $0x2;
	s13 =	simm.s32 $0x0  }
0x5: {  	s3 =	sand.u32 $0x1, s1;
	s31 =	sshll.u32 s0, $0x1;
	s1 =	rddreg [dreg:$0x1]  }
.Ltmp0:
0x6: {  	[smem:$0x7FF] =	sst s2;
	s6 =	sor.u32 s3, s31;
	(pc) =	sbr.rel .LBB2_1-.Ltmp0, $4  }
0x7: {  	s7 =	ssub.s32 $0x2, s3;
	_ =	strace $0x8000004D;
	s5 =	smul.u32 $0xC80, s6  }
0x8: {  	s3 =	sadd.s32 $0x132D400, s4;
	s8 =	sshrl.u32 s7, $0x1;
	s6 =	smul.u32 $0x320000, s6  }
0x9: {  	s7 =	ssub.s32 s7, s8;
	s8 =	simm.s32 $0x3;
	s5 =	sadd.s32 s5, s4  }
0xa: {  	s4 =	sadd.s32 $0x1400, s4;
	s7 =	smax.u32 s7, $0x1;
	s5 =	sadd.s32 $0x1314400, s5  }
.LBB2_5:
0xb: {  	s13 =	sadd.s32 $0x1, s13  }
0xc: {  	p0 =	sne.s32 s13, s7  }
.Ltmp1:
0xd: {  	_ = 	snop;
	(pc) =	sbr.rel @!p0 .LBB2_6-.Ltmp1, $4  }
0xe: {  	_ = 	snop  }
0xf: {  	_ =	swait.ge [sflag:s12], $0x4000  }
0x10: {  	[sflag:s12] =	ssyncset.done $0x0  }
0x11: {  	[sflag:s12] =	ssyncadd.s32 $0xFFFFC000  }
.LBB2_1:
0x12: {  	[tilespmem:s2], [sflag:$0x3] =	stream.linear.gather [hbm4b:s5+s2], $0x6400, $0x38;
	[tilespmem:$0xE400] =	vst v63  }
.Ltmp2:
0x13: {  	_ = 	snop;
	(pc) =	sbr.rel .LBB2_2-.Ltmp2, $4  }
0x14: {  	_ =	swait.ge [sflag:s8], $0x6400  }
0x15: {  	[sflag:s8] =	ssyncset.done $0x0  }
0x16: {  	s14 =	simm.s32 $0x0;
	[sflag:s8] =	ssyncadd.s32 $0xFFFF9C00  }
0x17: {  	[tilespmem:s10], [sflag:$0x1] =	stream.indirect.gather [hbm4b:s3+s9], $0x80, s2, s9, $0xb8;
	[tilespmem:$0xE400] =	vst v63  }
.LBB2_4:
0x18: {  	s14 =	sshll.u32 s14, $0xE;
	p0 =	slt.u32 s15, $0xC8  }
.Ltmp3:
0x19: {  	_ =	swait.ge [sflag:s11], $0x4000;
	s16 =	sadd.s32 s6, s14;
	(pc) =	sbr.rel @!p0 .LBB2_5-.Ltmp3, $4  }
0x1a: {  	[sflag:s11] =	ssyncset.done $0x0;
	s14 =	sand.u32 $0x4000, s14;
	s16 =	sshrl.u32 s16, $0x3  }
0x1b: {  	[sflag:s11] =	ssyncadd.s32 $0xFFFFC000;
	s14 =	sadd.s32 $0x6400, s14;
	s16 =	sadd.s32 s4, s16  }
0x1c: {  	[hbm4b:s16+s2] =	stream.linear.scatter [tilespmem:s14], [sflag:$0x2], $0x4000, $0x38;
	[tilespmem:$0xE400] =	vst v63  }
0x1d: {  	s14 =	smov.u32 s15  }
.LBB2_2:
0x1e: {  	p0 =	seq.s32 s14, $0x0  }
0x1f: {  	p1 =	seq.s32 @!p0 s14, $0xC7  }
0x20: {  	p1 =	por p0, !p1  }
.Ltmp4:
0x21: {  	_ = 	snop;
	(pc) =	sbr.rel @!p1 .LBB2_4-.Ltmp4, $4  }
0x22: {  	s15 =	simm.s32 @!p0 $0x2  }
0x23: {  	_ =	swait.ge @!p0 [sflag:s15], $0x4000  }
0x24: {  	[sflag:s15] =	ssyncset.done @!p0 $0x0  }
0x25: {  	[sflag:s15] =	ssyncadd.s32 @!p0 $0xFFFFC000;
	s15 =	simm.s32 @!p0 $0xC8  }
0x26: {  	s15 =	sadd.s32 @!p0 $0x1, s14  }
.Ltmp5:
0x27: {  	s15 =	simm.s32 @p0 $0x1;
	(pc) =	sbr.rel .LBB2_4-.Ltmp5, $4  }
0x28: {  	s16 =	sshll.u32 s15, $0xE  }
0x29: {  	s17 =	sshll.u32 s15, $0x7;
	s16 =	sand.u32 $0x4000, s16  }
0x2a: {  	s17 =	sand.u32 $0x3FFFFF80, s17;
	s16 =	sadd.s32 $0x6400, s16  }
0x2b: {  	[tilespmem:s16], [sflag:$0x1] =	stream.indirect.gather [hbm4b:s3+s9], $0x80, s17, s9, $0xb8;
	[tilespmem:$0xE400] =	vst v63  }
.LBB2_6:
0x2c: {  	_ =	sfence.sel $0x180000  }
0x2d: {  	[bflag:$0x0] =	sbarrier.arrive $0xFFFF  }
0x2e: {  	p0 =	sne.s32 s0, $0x0;
	_ =	strace $0x9000004D  }
0x2f: {  	s0 =	sadd.s32 @!p0 $0x100000, s1;
	[bflag:$0x2] =	sbarrier.arrive $0xFFFF  }
0x30: {  	[sflag:s0] =	ssyncadd.tile.s32 @!p0 $0x1;
	_ =	shalt  }
.Lfunc_end2:
_tile_overlayer_lowered:
.L_overlay_start_2:
0x31: {  	(tag) =	ssettag $0x2  }
0x32: {  	s0 =	rddreg [dreg:$0x0];
	s2 =	stileid.u32  }
0x33: {  	s1 =	rddreg [dreg:$0x1];
	p0 =	sne.s32 s2, $0x0  }
0x34: {  	s3 =	rddreg [dreg:$0x2];
	[bflag:$0x3] =	sbarrier.arrive $0xFFFF;
	s2 =	simm.s32 @!p0 $0x1C03  }
0x35: {  	[timem:s3], [sflag:s2] =	dma.local @!p0 [hbm:s0], s1  }
0x36: {  	s0 =	simm.s32 @!p0 $0x3  }
0x37: {  	_ =	swait.ge @!p0 [sflag:s0], s1  }
0x38: {  	s1 =	ssub.s32 @!p0 $0x0, s1;
	[sflag:s0] =	ssyncset.done @!p0 $0x0  }
0x39: {  	[sflag:s0] =	ssyncadd.s32 @!p0 s1  }
0x3a: {  	[bflag:$0x3] =	sbarrier.arrive $0xFFFF  }
0x3b: {  	_ =	shalt  }

// kernel: sparse-core-data-format-call.1.cloned.1.call-start
scs
called_computation.1_lowered:
.L_overlay_start_0:
0x0: {  	s2 =	sld [smem:$0x3FD9]  }
0x1: {  	s3 =	sld [smem:$0x3FFE];
	_ =	sdelay $0x1  }
0x2: {  	s1 =	srdreg.scid  }
0x3: {  	s0 =	sand.u32 $0x1, s1  }
0x4: {  	s18 =	sshll.u32 s0, $0xA;
	s2 =	sadd.s32 s3, s2  }
0x5: {  	s2 =	sadd.s32 s2, s18  }
0x6: {  	[smem:$0x3FC6] =	sst s2  }
0x7: {  	_ = 	snop  }
0x8: {  	s2 =	sld [smem:$0x3FD0];
	(tm) =	ssettm $0x1  }
0x9: {  	s19 =	sld [smem:$0x3FFB];
	_ =	sdelay $0x3  }
0xa: {  	_ =	strace s19  }
0xb: {  	s3 =	sld [smem:$0x3FFC];
	_ =	sdelay $0x3  }
0xc: {  	_ =	strace s3  }
0xd: {  	s3 =	sld [smem:$0x3FFD];
	_ =	sdelay $0x3  }
0xe: {  	_ =	strace s3  }
0xf: {  	_ =	strace $0x8FFFFFFF  }
0x10: {  	s20 =	sld [smem:$0x3FDB];
	_ =	sdelay $0x1  }
0x11: {  	s4 =	simm.s32 $_scs_section_size  }
0x12: {  	s5 =	simm.s32 $_size__tile_overlayer_lowered;
	s6 =	simm.s32 $_tile_overlayer_lowered  }
0x13: {  	s23 =	simm.s32 $0x1BFF;
	s22 =	sshll.u32 s6, $0x1;
	s3 =	sadd.s32 s4, s20  }
0x14: {  	s7 =	simm.s32 $0x0;
	s21 =	sshll.u32 s5, $0x1;
	s5 =	sadd.s32 s22, s3  }
0x15: {  	[timem:s7], [sflag:s23] =	dma.local [hbm:s5], s21  }
0x16: {  	_ =	swait.ge [sflag:s23], s21  }
0x17: {  	s4 =	ssub.s32 $0x0, s21;
	[sflag:s23] =	ssyncset.done $0x0  }
0x18: {  	[sflag:s23] =	ssyncadd.s32 s4;
	_ =	sdelay $0x1  }
0x19: {  	s24 =	simm.s32 $0x1B8B  }
0x1a: {  	_ =	swait.ge [sflag:s24], $0x1  }
0x1b: {  	[sflag:s24] =	ssyncset.done $0x0  }
0x1c: {  	s26 =	simm.s32 $0x1B8E;
	s25 =	sld [smem:$0x3FFE];
	[sflag:s24] =	ssyncadd.s32 $0xFFFFFFFF  }
0x1d: {  	s27 =	simm.s32 $execute0_lowered;
	[smem:$0x3FD2] =	sst s26  }
0x1e: {  	s5 =	sshll.u32 s27, $0x1;
	_ =	strace $0x80000046;
	[dreg:$0x1] =	wrdreg $0xFFFFFFFF  }
0x1f: {  	s28 =	simm.s32 $_size_execute0_lowered;
	s3 =	sadd.s32 s3, s5;
	[dreg:$0x0] =	wrdreg $0x0  }
0x20: {  	s5 =	sshll.u32 s28, $0x1;
	[dreg:$0x2] =	wrdreg s3  }
0x21: {  	[dreg:$0x3] =	wrdreg s5  }
0x22: {  	[dreg:$0x4] =	wrdreg $0xC0  }
0x23: {  	_ =	task [dreg:s7], $0x5FFFF  }
0x24: {  	[dreg:$0x1] =	wrdreg $0xFFFFFFFF  }
0x25: {  	[dreg:$0x0] =	wrdreg $0x60  }
0x26: {  	[dreg:$0x2] =	wrdreg s2  }
0x27: {  	[dreg:$0x3] =	wrdreg s25  }
0x28: {  	[dreg:$0x4] =	wrdreg $0xA  }
0x29: {  	_ =	task.clear_ibuf [dreg:s7], $0x5FFFF;
	_ =	strace $0x90000046  }
0x2a: {  	s29 =	simm.s32 $0xA;
	_ =	strace $0x80000048  }
0x2b: {  	_ =	swait.ge [sflag:s29], $0x1  }
0x2c: {  	[sflag:s29] =	ssyncadd.s32 $0xFFFFFFFF  }
0x2d: {  	_ =	strace $0x90000048  }
0x2e: {  	_ =	sfence  }
0x2f: {  	s30 =	sld [smem:$0x0];
	_ =	sdelay $0x2  }
0x30: {  	s31 =	sshll.u32 s1, $0xD;
	s1 =	sshrl.u32 s1, $0x2  }
0x31: {  	s3 =	sand.u32 $0x4000, s31;
	s1 =	sadd.s32 s1, s30  }
0x32: {  	s0 =	sor.u32 s3, s0;
	s1 =	sshll.u32 s1, $0x11  }
0x33: {  	s0 =	sor.u32 s1, s0  }
0x34: {  	s0 =	sadd.s32 $0x8F2B, s0  }
0x35: {  	[sflag:s0] =	ssyncadd.remote.s32 $0x1  }
0x36: {  	_ =	sfence.sel $0xFFFF  }
0x37: {  	[dreg:$0x0] =	wrdreg $0xFFFFFFFF;
	(pc) =	sbr.abs _section_cstart, $3  }
0x38: {  	[dreg:$0x1] =	wrdreg $0xFFFFFFFF  }
0x39: {  	_ =	task.clear_ibuf [dreg:s7], $0x2FFFF;
	_ =	strace $0x9FFFFFFF  }
0x3a: {  	(tm) =	ssettm $0x7FFFFFFF  }
0x3b: {  	_ =	shalt  }
tec
execute0_lowered:
.L_overlay_start_1:
0x0: {  	(tag) =	ssettag $0x1  }
0x1: {  	s0 =	srdreg.scid;
	s2 =	rddreg [dreg:$0x0]  }
0x2: {  	s5 =	rddreg [dreg:$0x1];
	s1 =	stileid.u32  }
0x3: {  	s4 =	simm.s32 $0x1;
	s6 =	simm.s32 $0x2;
	s15 =	simm.s32 $0x0  }
0x4: {  	p0 =	por $0x0, $0x0;
	s8 =	simm.s32 $0x80;
	s0 =	sshll.u32 s0, $0x4  }
0x5: {  	s14 =	simm.s32 $0x0;
	s9 =	simm.s32 $0x0;
	s3 =	sand.u32 $0x10, s0  }
.Ltmp0:
0x6: {  	s10 =	simm.s32 $0x0;
	s3 =	sor.u32 s1, s3;
	(pc) =	sbr.rel .LBB1_1-.Ltmp0, $4  }
0x7: {  	s0 =	rddreg [dreg:$0x2];
	_ =	strace $0x80000047;
	s3 =	sshll.u32 s3, $0x7  }
0x8: {  	s12 =	simm.s32 $0x0;
	[sflag:s4] =	ssyncpa.u1 $0x0;
	s7 =	ssub.s32 $0x7A100, s3  }
0x9: {  	s13 =	simm.s32 $0x0;
	[sflag:s6] =	ssyncpa.u1 $0x0;
	s6 =	sshrl.u32 s7, $0xC  }
0xa: {  	s5 =	sadd.s32 $0x1400, s5;
	s11 =	smov.u32 s3;
	s7 =	sadd.s32 $0x2, s6  }
.LBB1_5:
0xb: {  	p1 =	slt.u32 s13, $0x2  }
0xc: {  	s17 =	smov.u32 s15;
	p2 =	sgt.s32 @!p1 s15, $0x7A0A0;
	s16 =	sshra.s32 @!p1 s15, $0x1F  }
0xd: {  	p3 =	sgt.s32 @!p1 s14, $0x40;
	s18 =	sshra.s32 @!p1 s14, $0x1F;
	p2 =	por !p2, p1  }
0xe: {  	s15 =	sand.u32 @!p1 s16, s15;
	p3 =	por !p3, p1;
	s16 =	smov.u32 s14  }
0xf: {  	s14 =	sand.u32 @!p1 s18, s14;
	s17 =	simm.s32 @p2 $0x7A0A0;
	s16 =	simm.s32 @p3 $0x40  }
0x10: {  	s15 =	ssub.s32 @!p1 s17, s15;
	s14 =	ssub.s32 @!p1 s16, s14  }
0x11: {  	s18 =	smov.u32 s12;
	s16 =	sadd.s32 @!p1 $0xFFF85F60, s15;
	s17 =	sadd.s32 @!p1 $0xFFFFFFC0, s14  }
0x12: {  	s15 =	ssub.s32 @!p1 $0x7A120, s15;
	p2 =	sgt.s32 @!p1 s16, $0x7F;
	p3 =	sgt.s32 @!p1 s17, $0x3F  }
0x13: {  	s14 =	ssub.s32 @!p1 $0x80, s14;
	p2 =	por !p2, p1;
	p3 =	por !p3, p1  }
0x14: {  	s16 =	sadd.s32 $0x1000, s11;
	s15 =	simm.s32 @!p2 $0x0;
	s14 =	simm.s32 @!p3 $0x0  }
0x15: {  	p2 =	sgt.s32 s16, $0x7A11F;
	s14 =	smul.u32 @!p1 s14, s15;
	s15 =	sadd.s32 $0x40, s12  }
0x16: {  	s18 =	smov.u32 @p2 s15  }
0x17: {  	s16 =	smov.u32 @p2 s3;
	p2 =	sgt.s32 s18, $0x3F  }
0x18: {  	s18 =	simm.s32 @p2 $0x0;
	p2 =	sne.s32 s13, s7  }
.Ltmp1:
0x19: {  	p0 =	por !p0, !p0;
	s17 =	simm.s32 @!p1 $0x2;
	(pc) =	sbr.rel @!p2 .LBB1_6-.Ltmp1, $4  }
0x1a: {  	s15 =	smov.u32 s9;
	s9 =	smov.u32 s11;
	s14 =	sand.u32 @!p1 $0x3FFFFFFF, s14  }
0x1b: {  	s11 =	smov.u32 s16;
	_ =	swait.ge @!p1 [sflag:s17], s14;
	s19 =	ssub.s32 @!p1 $0x0, s14  }
0x1c: {  	s14 =	smov.u32 s10;
	s13 =	sadd.s32 $0x1, s13;
	[sflag:s17] =	ssyncset.done @!p1 $0x0  }
0x1d: {  	s10 =	smov.u32 s12;
	s12 =	smov.u32 s18;
	[sflag:s17] =	ssyncadd.s32 @!p1 s19  }
.LBB1_1:
0x1e: {  	p1 =	sgt.u32 s13, s6  }
0x1f: {  	s16 =	sshrl.u32 @!p1 s12, $0x3  }
0x20: {  	s17 =	sshll.u32 @!p1 s11, $0x3;
	s16 =	smul.u32 @!p1 $0x3D0C00, s16  }
0x21: {  	s18 =	sshll.u32 @!p1 s12, $0x7;
	s17 =	sand.u32 @!p1 $0xFFFFFC00, s17  }
0x22: {  	s16 =	sadd.s32 @!p1 s16, s17;
	s17 =	sand.u32 @!p1 $0x380, s18  }
0x23: {  	s16 =	sor.u32 @!p1 s17, s16  }
0x24: {  	s17 =	sshrl.u32 @!p1 s16, $0x7  }
0x25: {  	s17 =	smulhi.u32 @!p1 $0x10C6249, s17;
	_ =	sdelay $0x1  }
0x26: {  	s17 =	sshrl.u32 @!p1 s17, $0x4  }
0x27: {  	s18 =	sand.u32 @!p1 $0x7F, s11;
	s19 =	smul.u32 @!p1 $0x7A180, s17  }
0x28: {  	s16 =	sor.u32 @!p1 s18, s16;
	s18 =	sxor.u32 @!p1 $0xFFFFFFFF, s13  }
0x29: {  	s18 =	sshll.u32 @!p1 s18, $0xD;
	s17 =	sand.u32 @!p1 $0x3F, s17;
	s16 =	ssub.s32 @!p1 s16, s19  }
0x2a: {  	s17 =	smul.u32 @!p1 $0xF430, s17;
	s19 =	sshrl.u32 @!p1 s16, $0x3;
	s16 =	sand.u32 @!p1 $0x7, s16  }
0x2b: {  	s18 =	sand.u32 @!p1 $0x2000, s18;
	s19 =	sadd.s32 @!p1 s2, s19;
	s16 =	sshll.u32 @!p1 s16, $0x12  }
0x2c: {  	s17 =	sadd.s32 @!p1 s17, s19;
	s16 =	sor.u32 @!p1 $0x400, s16;
	s19 =	simm.s32 @!p1 $0x3D0C00  }
0x2d: {  	[tilespmem:s18], [sflag:$0x1] =	stream.strided.gather @!p1 [hbm4b:s17+s16], $0x2000, s19, s16, $0x38;
	[tilespmem:$0x8100] =	vst v63  }
0x2e: {  	p1 =	seq.s32 s13, $0x0  }
0x2f: {  	p2 =	sge.u32 @!p1 s13, s7  }
0x30: {  	p1 =	por p1, p2  }
.Ltmp2:
0x31: {  	_ = 	snop;
	(pc) =	sbr.rel @p1 .LBB1_5-.Ltmp2, $1  }
0x32: {  	_ =	sdelay $0x3  }
0x33: {  	s16 =	simm.s32 $0x1  }
0x34: {  	_ =	swait.ge [sflag:s4], $0x2000;
	s16 =	simm.s32 @!p0 $0x0  }
0x35: {  	[sflag:s4] =	ssyncset.done $0x0;
	s17 =	sshll.u32 s16, $0xD  }
0x36: {  	[sflag:s4] =	ssyncadd.s32 $0xFFFFE000;
	s17 =	sor.u32 $0x40, s17  }
0x37: {  	s16 =	smul.u32 $0x8200, s16;
	v0 =	vld [tilespmem:s17+$0x30]  }
0x38: {  	v1 =	vld [tilespmem:s17+$0xFFFFFFD0]  }
0x39: {  	s16 =	sshrl.u32 s16, $0x2;
	v5 =	vld [tilespmem:s17+$0xFFFFFFE0]  }
0x3a: {  	v6 =	vld [tilespmem:s17+$0xFFFFFFF0];
	s19 =	sor.u32 $0x4000, s16  }
0x3b: {  	s31 =	sand.u32 $0x1, s13;
	v4 =	vld [tilespmem:s17+$0x0];
	s18 =	sadd.s32 $0x0, s19  }
0x3c: {  	v3 =	vld [tilespmem:s17+$0x10];
	s16 =	smul.u32 $0x8200, s31;
	[tilespmem:s18+$0x1C70 ss:$0x41] =	vst.msk $0xffff, v0  }
0x3d: {  	v2 =	vld [tilespmem:s17+$0x20];
	[tilespmem:s18+$0x410 ss:$0x41] =	vst.msk $0xffff, v1  }
0x3e: {  	s16 =	sshrl.u32 s16, $0x2;
	v1 =	vld [tilespmem:s17+$0xFFFFFFC0];
	[tilespmem:s18+$0x820 ss:$0x41] =	vst.msk $0xffff, v5;
	s17 =	sadd.s32 $0x80, s17  }
0x3f: {  	s20 =	simm.s32 $0x4;
	s21 =	simm.s32 $0x8;
	s16 =	sor.u32 $0x4000, s16;
	[tilespmem:s18+$0xC30 ss:$0x41] =	vst.msk $0xffff, v6;
	v0 =	vld [tilespmem:s17+$0x30]  }
.LBB1_3:
0x40: {  	p1 =	sne.s32 s21, $0xFC;
	v5 =	vld [tilespmem:s17+$0xFFFFFFD0];
	[tilespmem:s18+$0x1040 ss:$0x41] =	vst.msk $0xffff, v4  }
0x41: {  	v6 =	vld [tilespmem:s17+$0xFFFFFFE0];
	[tilespmem:s18+$0x1450 ss:$0x41] =	vst.msk $0xffff, v3  }
0x42: {  	s22 =	sshra.s32 s20, $0x2;
	s20 =	smov.u32 s21;
	v7 =	vld [tilespmem:s17+$0xFFFFFFF0];
	[tilespmem:s18+$0x1860 ss:$0x41] =	vst.msk $0xffff, v2  }
.Ltmp3:
0x43: {  	v4 =	vld [tilespmem:s17+$0x0];
	[tilespmem:s18+$0x0 ss:$0x41] =	vst.msk $0xffff, v1;
	s18 =	sadd.s32 s22, s19;
	(pc) =	sbr.rel @p1 .LBB1_3-.Ltmp3, $4  }
0x44: {  	v3 =	vld [tilespmem:s17+$0x10];
	[tilespmem:s18+$0x1C70 ss:$0x41] =	vst.msk $0xffff, v0  }
0x45: {  	[tilespmem:s18+$0x410 ss:$0x41] =	vst.msk $0xffff, v5;
	v2 =	vld [tilespmem:s17+$0x20]  }
0x46: {  	v1 =	vld [tilespmem:s17+$0xFFFFFFC0];
	[tilespmem:s18+$0x820 ss:$0x41] =	vst.msk $0xffff, v6;
	s17 =	sadd.s32 $0x80, s17  }
0x47: {  	s21 =	sadd.s32 $0x4, s21;
	v0 =	vld [tilespmem:s17+$0x30];
	[tilespmem:s18+$0xC30 ss:$0x41] =	vst.msk $0xffff, v7  }
0x48: {  	s21 =	sshll.u32 s9, $0x7;
	s22 =	sshll.u32 s10, $0x3;
	s20 =	sshra.s32 s20, $0x2  }
0x49: {  	p1 =	sgt.s32 s9, $0x7A0A0;
	s30 =	sshra.s32 s9, $0x1F;
	s25 =	sshra.s32 s10, $0x1F  }
0x4a: {  	v5 =	vld [tilespmem:s17+$0xFFFFFFD0];
	s28 =	sshrl.u32 s10, $0x3;
	s23 =	sand.u32 $0xFFFFFC00, s21;
	s22 =	sand.u32 $0xFFFFFC00, s22  }
0x4b: {  	[tilespmem:s18+$0x1040 ss:$0x41] =	vst.msk $0xffff, v4;
	v58 =	vld [tilespmem:s17+$0xFFFFFFE0];
	s21 =	sand.u32 $0x380, s21;
	s19 =	sadd.s32 s20, s19;
	s22 =	sadd.s32 s22, s23  }
0x4c: {  	v59 =	vld [tilespmem:s17+$0xFFFFFFF0];
	[tilespmem:s18+$0x1450 ss:$0x41] =	vst.msk $0xffff, v3;
	s29 =	sor.u32 s21, s22;
	s21 =	smov.u32 s9;
	s22 =	sand.u32 s30, s9  }
0x4d: {  	v60 =	vld [tilespmem:s17+$0x0];
	[tilespmem:s18+$0x1860 ss:$0x41] =	vst.msk $0xffff, v2;
	s30 =	sand.u32 $0x7, s10;
	s20 =	sshrl.u32 s29, $0x7;
	s21 =	simm.s32 @!p1 $0x7A0A0  }
0x4e: {  	v61 =	vld [tilespmem:s17+$0x10];
	[tilespmem:s18+$0x0 ss:$0x41] =	vst.msk $0xffff, v1;
	p1 =	sgt.s32 s10, $0x40;
	s24 =	ssub.s32 s21, s22;
	s21 =	smov.u32 s10  }
0x4f: {  	v62 =	vld [tilespmem:s17+$0x20];
	[tilespmem:s19+$0x1C70 ss:$0x41] =	vst.msk $0xffff, v0;
	s31 =	smulhi.u32 $0x218DEF5, s20;
	s22 =	sand.u32 s25, s10;
	s21 =	simm.s32 @!p1 $0x40  }
0x50: {  	v63 =	vld [tilespmem:s17+$0xFFFFFFC0];
	[tilespmem:s19+$0x410 ss:$0x41] =	vst.msk $0xffff, v5;
	s26 =	sadd.s32 $0xFFF85F60, s24;
	s17 =	ssub.s32 $0x7A120, s24;
	s21 =	ssub.s32 s21, s22  }
0x51: {  	[tilespmem:s19+$0x820 ss:$0x41] =	vst.msk $0xffff, v58;
	s23 =	sshrl.u32 s31, $0xC;
	p1 =	sgt.s32 s26, $0x7F;
	s27 =	sadd.s32 $0xFFFFFFC0, s21  }
0x52: {  	[tilespmem:s19+$0xC30 ss:$0x41] =	vst.msk $0xffff, v59;
	s23 =	smul.u32 $0x7A120, s23;
	s18 =	ssub.s32 $0x80, s21;
	p2 =	sgt.s32 s27, $0x3F  }
.Ltmp4:
0x53: {  	[tilespmem:s19+$0x1040 ss:$0x41] =	vst.msk $0xffff, v60;
	s17 =	simm.s32 @p1 $0x0;
	s18 =	simm.s32 @p2 $0x0;
	(pc) =	sbr.rel .LBB1_5-.Ltmp4, $4  }
0x54: {  	s29 =	sand.u32 $0xF, s28;
	[tilespmem:s19+$0x1450 ss:$0x41] =	vst.msk $0xffff, v61;
	s20 =	ssub.s32 s20, s23;
	s17 =	smul.u32 s18, s17  }
0x55: {  	[tilespmem:s19+$0x1860 ss:$0x41] =	vst.msk $0xffff, v62;
	s21 =	sshll.u32 s30, $0x12;
	s20 =	sshll.u32 s20, $0x4;
	s18 =	sadd.s32 s5, s29  }
0x56: {  	[tilespmem:s19+$0x0 ss:$0x41] =	vst.msk $0xffff, v63;
	s31 =	sor.u32 $0x40, s21;
	s18 =	sadd.s32 s20, s18;
	s17 =	sand.u32 $0x3FFFFFFF, s17  }
0x57: {  	[hbm4b:s18+s31] =	stream.strided.scatter [tilespmem:s16], [sflag:$0x2], s17, s8, s31, $0x18;
	[tilespmem:$0x8100] =	vst v63  }
.LBB1_6:
0x58: {  	_ =	sfence.sel $0x180000  }
0x59: {  	s2 =	simm.s32 $0x1;
	[bflag:$0x0] =	sbarrier.arrive $0xFFFF  }
0x5a: {  	s31 =	simm.s32 $0x2;
	[sflag:s2] =	ssyncpa.u1 $0x1  }
0x5b: {  	[sflag:s31] =	ssyncpa.u1 $0x1  }
0x5c: {  	p0 =	sne.s32 s1, $0x0;
	_ =	strace $0x90000047  }
0x5d: {  	s0 =	sadd.s32 @!p0 $0x100000, s0;
	[bflag:$0x2] =	sbarrier.arrive $0xFFFF  }
0x5e: {  	[sflag:s0] =	ssyncadd.tile.s32 @!p0 $0x1;
	_ =	shalt  }
.Lfunc_end1:
_tile_overlayer_lowered:
.L_overlay_start_2:
0x5f: {  	(tag) =	ssettag $0x2  }
0x60: {  	s0 =	rddreg [dreg:$0x0];
	s2 =	stileid.u32  }
0x61: {  	s1 =	rddreg [dreg:$0x1];
	p0 =	sne.s32 s2, $0x0  }
0x62: {  	s3 =	rddreg [dreg:$0x2];
	[bflag:$0x3] =	sbarrier.arrive $0xFFFF;
	s2 =	simm.s32 @!p0 $0x1C01  }
0x63: {  	[timem:s3], [sflag:s2] =	dma.local @!p0 [hbm:s0], s1  }
0x64: {  	s0 =	simm.s32 @!p0 $0x1  }
0x65: {  	_ =	swait.ge @!p0 [sflag:s0], s1  }
0x66: {  	s1 =	ssub.s32 @!p0 $0x0, s1;
	[sflag:s0] =	ssyncset.done @!p0 $0x0  }
0x67: {  	[sflag:s0] =	ssyncadd.s32 @!p0 s1  }
0x68: {  	[bflag:$0x3] =	sbarrier.arrive $0xFFFF  }
0x69: {  	_ =	shalt  }

// kernel: sparse-core-data-format-call.cloned.1.call-start
scs
called_computation_lowered:
.L_overlay_start_0:
0x0: {  	s2 =	sld [smem:$0x3FD9]  }
0x1: {  	s3 =	sld [smem:$0x3FFE];
	_ =	sdelay $0x1  }
0x2: {  	s1 =	srdreg.scid  }
0x3: {  	s0 =	sand.u32 $0x1, s1  }
0x4: {  	s18 =	sshll.u32 s0, $0xA;
	s2 =	sadd.s32 s3, s2  }
0x5: {  	s2 =	sadd.s32 s2, s18  }
0x6: {  	[smem:$0x3FC6] =	sst s2  }
0x7: {  	_ = 	snop  }
0x8: {  	(tm) =	ssettm $0x1  }
0x9: {  	s19 =	sld [smem:$0x3FFB];
	_ =	sdelay $0x3  }
0xa: {  	_ =	strace s19  }
0xb: {  	s2 =	sld [smem:$0x3FFC];
	_ =	sdelay $0x3  }
0xc: {  	_ =	strace s2  }
0xd: {  	s2 =	sld [smem:$0x3FFD];
	_ =	sdelay $0x3  }
0xe: {  	_ =	strace s2  }
0xf: {  	_ =	strace $0x8FFFFFFF  }
0x10: {  	s20 =	sld [smem:$0x3FDB];
	_ =	sdelay $0x1  }
0x11: {  	s21 =	simm.s32 $_scs_section_size  }
0x12: {  	s4 =	simm.s32 $_size__tile_overlayer_lowered;
	s5 =	simm.s32 $_tile_overlayer_lowered  }
0x13: {  	s6 =	simm.s32 $0x1BFF;
	s22 =	sshll.u32 s5, $0x1;
	s3 =	sadd.s32 s21, s20  }
0x14: {  	s23 =	simm.s32 $0x0;
	s4 =	sshll.u32 s4, $0x1;
	s5 =	sadd.s32 s22, s3  }
0x15: {  	[timem:s23], [sflag:s6] =	dma.local [hbm:s5], s4  }
0x16: {  	_ =	swait.ge [sflag:s6], s4  }
0x17: {  	s4 =	ssub.s32 $0x0, s4;
	[sflag:s6] =	ssyncset.done $0x0  }
0x18: {  	[sflag:s6] =	ssyncadd.s32 s4;
	_ =	sdelay $0x1  }
0x19: {  	s24 =	simm.s32 $0x1B8B  }
0x1a: {  	_ =	swait.ge [sflag:s24], $0x1  }
0x1b: {  	[sflag:s24] =	ssyncset.done $0x0  }
0x1c: {  	[sflag:s24] =	ssyncadd.s32 $0xFFFFFFFF  }
0x1d: {  	s4 =	sld [smem:$0x0]  }
0x1e: {  	s5 =	sand.u32 $0xFFFFFFFE, s1  }
0x1f: {  	p0 =	sne.s32 s1, s5  }
0x20: {  	s5 =	sshll.u32 @p0 s5, $0xE  }
0x21: {  	s5 =	sadd.s32 @p0 $0x11B8D, s5;
	s6 =	sshll.u32 @p0 s4, $0x11  }
0x22: {  	s5 =	sor.u32 @p0 s6, s5  }
0x23: {  	[sflag:s5] =	ssyncadd.remote.s32 @p0 $0x1;
	_ =	sdelay $0x1  }
0x24: {  	s5 =	simm.s32 @p0 $0x1B8D  }
0x25: {  	_ =	swait.eq @p0 [sflag:s5], $0x1  }
0x26: {  	[sflag:s5] =	ssyncadd.s32 @p0 $0xFFFFFFFF  }
0x27: {  	s6 =	sshll.u32 @!p0 s1, $0xE  }
0x28: {  	s6 =	sor.u32 @!p0 $0x4000, s6;
	s5 =	simm.s32 @!p0 $0x1B8D  }
0x29: {  	s4 =	sshll.u32 @!p0 s4, $0x11;
	s6 =	sadd.s32 @!p0 $0x11B8D, s6;
	_ =	swait.eq @!p0 [sflag:s5], $0x1  }
0x2a: {  	s4 =	sor.u32 @!p0 s4, s6;
	[sflag:s5] =	ssyncadd.s32 @!p0 $0xFFFFFFFF  }
0x2b: {  	s26 =	simm.s32 $0x1B8E;
	s25 =	sld [smem:$0x3FFE];
	[sflag:s4] =	ssyncadd.remote.s32 @!p0 $0x1  }
0x2c: {  	s27 =	simm.s32 $execute0_lowered;
	[smem:$0x3FD2] =	sst s26  }
0x2d: {  	s5 =	sshll.u32 s27, $0x1;
	_ =	strace $0x80000049;
	[dreg:$0x1] =	wrdreg $0xFFFFFFFF  }
0x2e: {  	s28 =	simm.s32 $_size_execute0_lowered;
	s3 =	sadd.s32 s3, s5;
	[dreg:$0x0] =	wrdreg $0x0  }
0x2f: {  	s5 =	sshll.u32 s28, $0x1;
	[dreg:$0x2] =	wrdreg s3  }
0x30: {  	[dreg:$0x3] =	wrdreg s5  }
0x31: {  	[dreg:$0x4] =	wrdreg $0xC0  }
0x32: {  	_ =	task [dreg:s23], $0x5FFFF  }
0x33: {  	[dreg:$0x1] =	wrdreg $0xFFFFFFFF  }
0x34: {  	[dreg:$0x0] =	wrdreg $0x60  }
0x35: {  	[dreg:$0x2] =	wrdreg s25  }
0x36: {  	[dreg:$0x3] =	wrdreg $0x9  }
0x37: {  	_ =	task.clear_ibuf [dreg:s23], $0x4FFFF;
	_ =	strace $0x90000049  }
0x38: {  	s29 =	simm.s32 $0x9;
	_ =	strace $0x8000004B  }
0x39: {  	_ =	swait.ge [sflag:s29], $0x1  }
0x3a: {  	[sflag:s29] =	ssyncadd.s32 $0xFFFFFFFF  }
0x3b: {  	_ =	strace $0x9000004B  }
0x3c: {  	_ =	sfence  }
0x3d: {  	s30 =	sld [smem:$0x0];
	_ =	sdelay $0x2  }
0x3e: {  	s31 =	sshll.u32 s1, $0xD;
	s1 =	sshrl.u32 s1, $0x2  }
0x3f: {  	s4 =	sand.u32 $0x4000, s31;
	s1 =	sadd.s32 s1, s30  }
0x40: {  	s0 =	sor.u32 s4, s0;
	s1 =	sshll.u32 s1, $0x11  }
0x41: {  	s0 =	sor.u32 s1, s0  }
0x42: {  	s0 =	sadd.s32 $0x8F2B, s0  }
0x43: {  	[sflag:s0] =	ssyncadd.remote.s32 $0x1  }
0x44: {  	_ =	sfence.sel $0xFFFF  }
0x45: {  	[dreg:$0x0] =	wrdreg $0xFFFFFFFF;
	(pc) =	sbr.abs _section_cstart, $3  }
0x46: {  	[dreg:$0x1] =	wrdreg $0xFFFFFFFF  }
0x47: {  	_ =	task.clear_ibuf [dreg:s23], $0x2FFFF;
	_ =	strace $0x9FFFFFFF  }
0x48: {  	(tm) =	ssettm $0x7FFFFFFF  }
0x49: {  	_ =	shalt  }
tec
execute0_lowered:
.L_overlay_start_1:
0x0: {  	(tag) =	ssettag $0x1  }
0x1: {  	s0 =	srdreg.scid  }
0x2: {  	s5 =	rddreg [dreg:$0x0];
	s1 =	stileid.u32;
	s4 =	simm.s32 $0x1  }
0x3: {  	s6 =	simm.s32 $0x2;
	s15 =	simm.s32 $0x0;
	p0 =	por $0x0, $0x0  }
0x4: {  	s8 =	simm.s32 $0x80;
	s14 =	simm.s32 $0x0;
	s2 =	sshll.u32 s0, $0x4  }
0x5: {  	s9 =	simm.s32 $0x0;
	s10 =	simm.s32 $0x0;
	s2 =	sand.u32 $0x10, s2  }
.Ltmp0:
0x6: {  	s12 =	simm.s32 $0x0;
	s3 =	sor.u32 s1, s2;
	(pc) =	sbr.rel .LBB1_1-.Ltmp0, $4  }
0x7: {  	s0 =	rddreg [dreg:$0x1];
	_ =	strace $0x8000004A;
	s3 =	sshll.u32 s3, $0x7  }
0x8: {  	s13 =	simm.s32 $0x0;
	[sflag:s4] =	ssyncpa.u1 $0x0;
	s7 =	ssub.s32 $0x7A100, s3  }
0x9: {  	s2 =	sadd.s32 $0x7A2600, s5;
	[sflag:s6] =	ssyncpa.u1 $0x0;
	s6 =	sshrl.u32 s7, $0xC  }
0xa: {  	s5 =	sadd.s32 $0xB73200, s5;
	s11 =	smov.u32 s3;
	s7 =	sadd.s32 $0x2, s6  }
.LBB1_5:
0xb: {  	p1 =	slt.u32 s13, $0x2  }
0xc: {  	s17 =	smov.u32 s15;
	p2 =	sgt.s32 @!p1 s15, $0x7A0A0;
	s16 =	sshra.s32 @!p1 s15, $0x1F  }
0xd: {  	p3 =	sgt.s32 @!p1 s14, $0x40;
	s18 =	sshra.s32 @!p1 s14, $0x1F;
	p2 =	por !p2, p1  }
0xe: {  	s15 =	sand.u32 @!p1 s16, s15;
	p3 =	por !p3, p1;
	s16 =	smov.u32 s14  }
0xf: {  	s14 =	sand.u32 @!p1 s18, s14;
	s17 =	simm.s32 @p2 $0x7A0A0;
	s16 =	simm.s32 @p3 $0x40  }
0x10: {  	s15 =	ssub.s32 @!p1 s17, s15;
	s14 =	ssub.s32 @!p1 s16, s14  }
0x11: {  	s18 =	smov.u32 s12;
	s16 =	sadd.s32 @!p1 $0xFFF85F60, s15;
	s17 =	sadd.s32 @!p1 $0xFFFFFFC0, s14  }
0x12: {  	s15 =	ssub.s32 @!p1 $0x7A120, s15;
	p2 =	sgt.s32 @!p1 s16, $0x7F;
	p3 =	sgt.s32 @!p1 s17, $0x3F  }
0x13: {  	s14 =	ssub.s32 @!p1 $0x80, s14;
	p2 =	por !p2, p1;
	p3 =	por !p3, p1  }
0x14: {  	s16 =	sadd.s32 $0x1000, s11;
	s15 =	simm.s32 @!p2 $0x0;
	s14 =	simm.s32 @!p3 $0x0  }
0x15: {  	p2 =	sgt.s32 s16, $0x7A11F;
	s14 =	smul.u32 @!p1 s14, s15;
	s15 =	sadd.s32 $0x40, s12  }
0x16: {  	s18 =	smov.u32 @p2 s15  }
0x17: {  	s16 =	smov.u32 @p2 s3;
	p2 =	sgt.s32 s18, $0x3F  }
0x18: {  	s18 =	simm.s32 @p2 $0x0;
	p2 =	sne.s32 s13, s7  }
.Ltmp1:
0x19: {  	p0 =	por !p0, !p0;
	s17 =	simm.s32 @!p1 $0x2;
	(pc) =	sbr.rel @!p2 .LBB1_6-.Ltmp1, $4  }
0x1a: {  	s15 =	smov.u32 s9;
	s9 =	smov.u32 s11;
	s14 =	sand.u32 @!p1 $0x3FFFFFFF, s14  }
0x1b: {  	s11 =	smov.u32 s16;
	_ =	swait.ge @!p1 [sflag:s17], s14;
	s19 =	ssub.s32 @!p1 $0x0, s14  }
0x1c: {  	s14 =	smov.u32 s10;
	s13 =	sadd.s32 $0x1, s13;
	[sflag:s17] =	ssyncset.done @!p1 $0x0  }
0x1d: {  	s10 =	smov.u32 s12;
	s12 =	smov.u32 s18;
	[sflag:s17] =	ssyncadd.s32 @!p1 s19  }
.LBB1_1:
0x1e: {  	p1 =	sgt.u32 s13, s6  }
0x1f: {  	s16 =	sshrl.u32 @!p1 s12, $0x3  }
0x20: {  	s17 =	sshll.u32 @!p1 s11, $0x3;
	s16 =	smul.u32 @!p1 $0x3D0C00, s16  }
0x21: {  	s18 =	sshll.u32 @!p1 s12, $0x7;
	s17 =	sand.u32 @!p1 $0xFFFFFC00, s17  }
0x22: {  	s16 =	sadd.s32 @!p1 s16, s17;
	s17 =	sand.u32 @!p1 $0x380, s18  }
0x23: {  	s16 =	sor.u32 @!p1 s17, s16  }
0x24: {  	s17 =	sshrl.u32 @!p1 s16, $0x7  }
0x25: {  	s17 =	smulhi.u32 @!p1 $0x10C6249, s17;
	_ =	sdelay $0x1  }
0x26: {  	s17 =	sshrl.u32 @!p1 s17, $0x4  }
0x27: {  	s18 =	sand.u32 @!p1 $0x7F, s11;
	s19 =	smul.u32 @!p1 $0x7A180, s17  }
0x28: {  	s16 =	sor.u32 @!p1 s18, s16;
	s18 =	sxor.u32 @!p1 $0xFFFFFFFF, s13  }
0x29: {  	s18 =	sshll.u32 @!p1 s18, $0xD;
	s17 =	sand.u32 @!p1 $0x3F, s17;
	s16 =	ssub.s32 @!p1 s16, s19  }
0x2a: {  	s17 =	smul.u32 @!p1 $0xF430, s17;
	s19 =	sshrl.u32 @!p1 s16, $0x3;
	s16 =	sand.u32 @!p1 $0x7, s16  }
0x2b: {  	s18 =	sand.u32 @!p1 $0x2000, s18;
	s19 =	sadd.s32 @!p1 s2, s19;
	s16 =	sshll.u32 @!p1 s16, $0x12  }
0x2c: {  	s17 =	sadd.s32 @!p1 s17, s19;
	s16 =	sor.u32 @!p1 $0x400, s16;
	s19 =	simm.s32 @!p1 $0x3D0C00  }
0x2d: {  	[tilespmem:s18], [sflag:$0x1] =	stream.strided.gather @!p1 [hbm4b:s17+s16], $0x2000, s19, s16, $0x38;
	[tilespmem:$0x8100] =	vst v63  }
0x2e: {  	p1 =	seq.s32 s13, $0x0  }
0x2f: {  	p2 =	sge.u32 @!p1 s13, s7  }
0x30: {  	p1 =	por p1, p2  }
.Ltmp2:
0x31: {  	_ = 	snop;
	(pc) =	sbr.rel @p1 .LBB1_5-.Ltmp2, $1  }
0x32: {  	_ =	sdelay $0x3  }
0x33: {  	s16 =	simm.s32 $0x1  }
0x34: {  	_ =	swait.ge [sflag:s4], $0x2000;
	s16 =	simm.s32 @!p0 $0x0  }
0x35: {  	[sflag:s4] =	ssyncset.done $0x0;
	s17 =	sshll.u32 s16, $0xD  }
0x36: {  	[sflag:s4] =	ssyncadd.s32 $0xFFFFE000;
	s17 =	sor.u32 $0x40, s17  }
0x37: {  	s16 =	smul.u32 $0x8200, s16;
	v0 =	vld [tilespmem:s17+$0x30]  }
0x38: {  	v1 =	vld [tilespmem:s17+$0xFFFFFFD0]  }
0x39: {  	s16 =	sshrl.u32 s16, $0x2;
	v5 =	vld [tilespmem:s17+$0xFFFFFFE0]  }
0x3a: {  	v6 =	vld [tilespmem:s17+$0xFFFFFFF0];
	s19 =	sor.u32 $0x4000, s16  }
0x3b: {  	s31 =	sand.u32 $0x1, s13;
	v4 =	vld [tilespmem:s17+$0x0];
	s18 =	sadd.s32 $0x0, s19  }
0x3c: {  	v3 =	vld [tilespmem:s17+$0x10];
	s16 =	smul.u32 $0x8200, s31;
	[tilespmem:s18+$0x1C70 ss:$0x41] =	vst.msk $0xffff, v0  }
0x3d: {  	v2 =	vld [tilespmem:s17+$0x20];
	[tilespmem:s18+$0x410 ss:$0x41] =	vst.msk $0xffff, v1  }
0x3e: {  	s16 =	sshrl.u32 s16, $0x2;
	v1 =	vld [tilespmem:s17+$0xFFFFFFC0];
	[tilespmem:s18+$0x820 ss:$0x41] =	vst.msk $0xffff, v5;
	s17 =	sadd.s32 $0x80, s17  }
0x3f: {  	s20 =	simm.s32 $0x4;
	s21 =	simm.s32 $0x8;
	s16 =	sor.u32 $0x4000, s16;
	[tilespmem:s18+$0xC30 ss:$0x41] =	vst.msk $0xffff, v6;
	v0 =	vld [tilespmem:s17+$0x30]  }
.LBB1_3:
0x40: {  	p1 =	sne.s32 s21, $0xFC;
	v5 =	vld [tilespmem:s17+$0xFFFFFFD0];
	[tilespmem:s18+$0x1040 ss:$0x41] =	vst.msk $0xffff, v4  }
0x41: {  	v6 =	vld [tilespmem:s17+$0xFFFFFFE0];
	[tilespmem:s18+$0x1450 ss:$0x41] =	vst.msk $0xffff, v3  }
0x42: {  	s22 =	sshra.s32 s20, $0x2;
	s20 =	smov.u32 s21;
	v7 =	vld [tilespmem:s17+$0xFFFFFFF0];
	[tilespmem:s18+$0x1860 ss:$0x41] =	vst.msk $0xffff, v2  }
.Ltmp3:
0x43: {  	v4 =	vld [tilespmem:s17+$0x0];
	[tilespmem:s18+$0x0 ss:$0x41] =	vst.msk $0xffff, v1;
	s18 =	sadd.s32 s22, s19;
	(pc) =	sbr.rel @p1 .LBB1_3-.Ltmp3, $4  }
0x44: {  	v3 =	vld [tilespmem:s17+$0x10];
	[tilespmem:s18+$0x1C70 ss:$0x41] =	vst.msk $0xffff, v0  }
0x45: {  	[tilespmem:s18+$0x410 ss:$0x41] =	vst.msk $0xffff, v5;
	v2 =	vld [tilespmem:s17+$0x20]  }
0x46: {  	v1 =	vld [tilespmem:s17+$0xFFFFFFC0];
	[tilespmem:s18+$0x820 ss:$0x41] =	vst.msk $0xffff, v6;
	s17 =	sadd.s32 $0x80, s17  }
0x47: {  	s21 =	sadd.s32 $0x4, s21;
	v0 =	vld [tilespmem:s17+$0x30];
	[tilespmem:s18+$0xC30 ss:$0x41] =	vst.msk $0xffff, v7  }
0x48: {  	s21 =	sshll.u32 s9, $0x7;
	s22 =	sshll.u32 s10, $0x3;
	s20 =	sshra.s32 s20, $0x2  }
0x49: {  	p1 =	sgt.s32 s9, $0x7A0A0;
	s30 =	sshra.s32 s9, $0x1F;
	s25 =	sshra.s32 s10, $0x1F  }
0x4a: {  	v5 =	vld [tilespmem:s17+$0xFFFFFFD0];
	s28 =	sshrl.u32 s10, $0x3;
	s23 =	sand.u32 $0xFFFFFC00, s21;
	s22 =	sand.u32 $0xFFFFFC00, s22  }
0x4b: {  	[tilespmem:s18+$0x1040 ss:$0x41] =	vst.msk $0xffff, v4;
	v58 =	vld [tilespmem:s17+$0xFFFFFFE0];
	s21 =	sand.u32 $0x380, s21;
	s19 =	sadd.s32 s20, s19;
	s22 =	sadd.s32 s22, s23  }
0x4c: {  	v59 =	vld [tilespmem:s17+$0xFFFFFFF0];
	[tilespmem:s18+$0x1450 ss:$0x41] =	vst.msk $0xffff, v3;
	s29 =	sor.u32 s21, s22;
	s21 =	smov.u32 s9;
	s22 =	sand.u32 s30, s9  }
0x4d: {  	v60 =	vld [tilespmem:s17+$0x0];
	[tilespmem:s18+$0x1860 ss:$0x41] =	vst.msk $0xffff, v2;
	s30 =	sand.u32 $0x7, s10;
	s20 =	sshrl.u32 s29, $0x7;
	s21 =	simm.s32 @!p1 $0x7A0A0  }
0x4e: {  	v61 =	vld [tilespmem:s17+$0x10];
	[tilespmem:s18+$0x0 ss:$0x41] =	vst.msk $0xffff, v1;
	p1 =	sgt.s32 s10, $0x40;
	s24 =	ssub.s32 s21, s22;
	s21 =	smov.u32 s10  }
0x4f: {  	v62 =	vld [tilespmem:s17+$0x20];
	[tilespmem:s19+$0x1C70 ss:$0x41] =	vst.msk $0xffff, v0;
	s31 =	smulhi.u32 $0x218DEF5, s20;
	s22 =	sand.u32 s25, s10;
	s21 =	simm.s32 @!p1 $0x40  }
0x50: {  	v63 =	vld [tilespmem:s17+$0xFFFFFFC0];
	[tilespmem:s19+$0x410 ss:$0x41] =	vst.msk $0xffff, v5;
	s26 =	sadd.s32 $0xFFF85F60, s24;
	s17 =	ssub.s32 $0x7A120, s24;
	s21 =	ssub.s32 s21, s22  }
0x51: {  	[tilespmem:s19+$0x820 ss:$0x41] =	vst.msk $0xffff, v58;
	s23 =	sshrl.u32 s31, $0xC;
	p1 =	sgt.s32 s26, $0x7F;
	s27 =	sadd.s32 $0xFFFFFFC0, s21  }
0x52: {  	[tilespmem:s19+$0xC30 ss:$0x41] =	vst.msk $0xffff, v59;
	s23 =	smul.u32 $0x7A120, s23;
	s18 =	ssub.s32 $0x80, s21;
	p2 =	sgt.s32 s27, $0x3F  }
.Ltmp4:
0x53: {  	[tilespmem:s19+$0x1040 ss:$0x41] =	vst.msk $0xffff, v60;
	s17 =	simm.s32 @p1 $0x0;
	s18 =	simm.s32 @p2 $0x0;
	(pc) =	sbr.rel .LBB1_5-.Ltmp4, $4  }
0x54: {  	s29 =	sand.u32 $0xF, s28;
	[tilespmem:s19+$0x1450 ss:$0x41] =	vst.msk $0xffff, v61;
	s20 =	ssub.s32 s20, s23;
	s17 =	smul.u32 s18, s17  }
0x55: {  	[tilespmem:s19+$0x1860 ss:$0x41] =	vst.msk $0xffff, v62;
	s21 =	sshll.u32 s30, $0x12;
	s20 =	sshll.u32 s20, $0x4;
	s18 =	sadd.s32 s5, s29  }
0x56: {  	[tilespmem:s19+$0x0 ss:$0x41] =	vst.msk $0xffff, v63;
	s31 =	sor.u32 $0x40, s21;
	s18 =	sadd.s32 s20, s18;
	s17 =	sand.u32 $0x3FFFFFFF, s17  }
0x57: {  	[hbm4b:s18+s31] =	stream.strided.scatter [tilespmem:s16], [sflag:$0x2], s17, s8, s31, $0x18;
	[tilespmem:$0x8100] =	vst v63  }
.LBB1_6:
0x58: {  	_ =	sfence.sel $0x180000  }
0x59: {  	s2 =	simm.s32 $0x1;
	[bflag:$0x0] =	sbarrier.arrive $0xFFFF  }
0x5a: {  	s31 =	simm.s32 $0x2;
	[sflag:s2] =	ssyncpa.u1 $0x1  }
0x5b: {  	[sflag:s31] =	ssyncpa.u1 $0x1  }
0x5c: {  	p0 =	sne.s32 s1, $0x0;
	_ =	strace $0x9000004A  }
0x5d: {  	s0 =	sadd.s32 @!p0 $0x100000, s0;
	[bflag:$0x2] =	sbarrier.arrive $0xFFFF  }
0x5e: {  	[sflag:s0] =	ssyncadd.tile.s32 @!p0 $0x1;
	_ =	shalt  }
.Lfunc_end1:
_tile_overlayer_lowered:
.L_overlay_start_2:
0x5f: {  	(tag) =	ssettag $0x2  }
0x60: {  	s0 =	rddreg [dreg:$0x0];
	s2 =	stileid.u32  }
0x61: {  	s1 =	rddreg [dreg:$0x1];
	p0 =	sne.s32 s2, $0x0  }
0x62: {  	s3 =	rddreg [dreg:$0x2];
	[bflag:$0x3] =	sbarrier.arrive $0xFFFF;
	s2 =	simm.s32 @!p0 $0x1C01  }
0x63: {  	[timem:s3], [sflag:s2] =	dma.local @!p0 [hbm:s0], s1  }
0x64: {  	s0 =	simm.s32 @!p0 $0x1  }
0x65: {  	_ =	swait.ge @!p0 [sflag:s0], s1  }
0x66: {  	s1 =	ssub.s32 @!p0 $0x0, s1;
	[sflag:s0] =	ssyncset.done @!p0 $0x0  }
0x67: {  	[sflag:s0] =	ssyncadd.s32 @!p0 s1  }
0x68: {  	[bflag:$0x3] =	sbarrier.arrive $0xFFFF  }
0x69: {  	_ =	shalt  }

</sc_bundles>
